<compile_context>
chip_gen: v7x
topology: tpu7x:2x2x1
jax: 0.10.2.dev20260603
libtpu: 0.0.44.dev20260713+nightly
codegen_flags: <defaults>
</compile_context>

<pallas_src>
import functools

import jax
import jax.numpy as jnp
from jax import lax
from jax.experimental import pallas as pl
from jax.experimental.pallas import tpu as pltpu
from jax.experimental.pallas import tpu_sc as plsc


def kernel(node_j, node_k, phi, prob_tensor):
    num_nodes, embed = phi.shape
    nchunk = embed // 16
    fdtype = phi.dtype
    mesh = plsc.VectorSubcoreMesh(
        core_axis_name="c", subcore_axis_name="s", num_cores=1,
        num_subcores=1)

    @functools.partial(
        pl.kernel,
        out_type=jax.ShapeDtypeStruct((1,), fdtype),
        mesh=mesh,
        compiler_params=pltpu.CompilerParams(needs_layout_passes=False),
        scratch_types=[
            pltpu.VMEM((1,), jnp.int32),
            pltpu.VMEM((16,), jnp.int32),
            pltpu.VMEM((16,), jnp.int32),
            pltpu.SemaphoreType.DMA,
            pltpu.VMEM((1, embed), fdtype),
            pltpu.VMEM((16, embed), fdtype),
            pltpu.VMEM((256,), fdtype),
            pltpu.VMEM((16,), fdtype),
            pltpu.SemaphoreType.DMA,
            pltpu.SemaphoreType.DMA,
        ],
    )
    def run(node_j_hbm, node_k_hbm, phi_hbm, prob_hbm, out_hbm,
            jv_v, kv_v, idx_v, sem3, h_v, rows_v, part_v, f_v, sem, sem2):
        j_cp = pltpu.async_copy(node_j_hbm, jv_v, sem)
        k_cp = pltpu.async_copy(node_k_hbm, kv_v.at[pl.ds(0, 1)], sem2)
        k_cp.wait()

        w = kv_v[...][0] + num_nodes
        w_vec = jnp.broadcast_to(w, (16,))
        iota = lax.iota(jnp.int32, 16)
        idx_vec = lax.shift_right_logical(w_vec, iota + 1)
        idx_v[...] = idx_vec
        rows_a_cp = pltpu.async_copy(
            prob_hbm.at[idx_v.at[pl.ds(0, 8)]], rows_v.at[pl.ds(0, 8)], sem2)
        rows_b_cp = pltpu.async_copy(
            prob_hbm.at[idx_v.at[pl.ds(8, 8)]], rows_v.at[pl.ds(8, 8)], sem3)
        j_cp.wait()
        h_cp = pltpu.async_copy(phi_hbm.at[jv_v], h_v, sem)

        bits = lax.shift_right_logical(w_vec, iota) & 1
        sign_f = (1 - 2 * bits).astype(fdtype)
        active = idx_vec >= 2

        h_cp.wait()
        rows_a_cp.wait()
        rows_b_cp.wait()

        hc = [h_v[0, pl.ds(16 * c, 16)] for c in range(nchunk)]

        def row_body(r, carry):
            acc = rows_v[r, pl.ds(0, 16)] * hc[0]
            for c in range(1, nchunk):
                acc = acc + rows_v[r, pl.ds(16 * c, 16)] * hc[c]
            part_v[pl.ds(pl.multiple_of(16 * r, 16), 16)] = acc
            return carry

        lax.fori_loop(0, 16, row_body, 0)

        row_base = iota * 16
        cols = [plsc.load_gather(part_v, [row_base + k])
                for k in range(16)]
        while len(cols) > 1:
            cols = [cols[i] + cols[i + 1]
                    for i in range(0, len(cols), 2)]
        dots = cols[0]

        x = sign_f * dots
        f = 1.0 / (1.0 + jnp.exp(-x))
        f = jnp.where(active, f, jnp.ones((16,), fdtype))

        f_v[...] = f
        v = f
        for step in (8, 4, 2, 1):
            v = v * plsc.load_gather(f_v, [iota ^ step])
            f_v[...] = v
        pltpu.sync_copy(f_v.at[pl.ds(0, 1)], out_hbm)

    return run(node_j, node_k, phi, prob_tensor)

# --- scband reference (transcript-rebuilt; emitter-appended) ---
"""Pipeline reference for scband-simple-skip-gram-34462817583812 (READ-ONLY COPY).

The authoritative reference and input builder live on the scoring server;
editing this copy changes nothing except your own understanding.
"""

import jax, jax.numpy as jnp
import numpy as np
import math

NUM_NODES = 100000
EMBED = 128

def func_n(w, j):
    li = [w]
    while w != 1:
        w = w // 2
        li.append(w)
    li.reverse()
    return li[j]

def setup_inputs(seed: int = 0) -> dict:
    key = jax.random.key(seed)
    k1, k2, k3, k4 = jax.random.split(key, 4)
    node_j = jax.random.randint(k1, (1,), 0, NUM_NODES, dtype=jnp.int64 if jax.config.jax_enable_x64 else jnp.int32).astype(jnp.int32)
    node_k = jax.random.randint(k2, (1,), 0, NUM_NODES).astype(jnp.int32)
    phi = jax.random.uniform(k3, (NUM_NODES, EMBED), dtype=jnp.float32)
    prob_tensor = jax.random.uniform(k4, (2 * NUM_NODES, EMBED), dtype=jnp.float32)
    return {"node_j": node_j, "node_k": node_k, "phi": phi, "prob_tensor": prob_tensor}

def reference(node_j, node_k, phi, prob_tensor):
    jv = node_j[0]
    kv = node_k[0]
    num_nodes = phi.shape[0]
    one_hot_vec = jnp.zeros((num_nodes,), dtype=phi.dtype).at[jv].set(1.0)
    w = num_nodes + kv
    h = jnp.matmul(one_hot_vec, phi)
    p = jnp.array([1.0], dtype=phi.dtype)
    bits = jnp.arange(32, dtype=w.dtype)
    highest_bit = jnp.max(jnp.where((w >> bits) > 0, bits, 0))
    length_path = highest_bit + 1
    def body(i, p_acc):
        n_i = w >> (length_path - 1 - i)
        n_ip1 = w >> (length_path - 2 - i)
        mult = jnp.where(n_ip1 == 2 * n_i, jnp.array(1.0, dtype=phi.dtype), jnp.array(-1.0, dtype=phi.dtype))
        return p_acc * jax.nn.sigmoid(mult * jnp.dot(prob_tensor[n_i], h))
    p = jax.lax.fori_loop(1, length_path - 1, body, p)
    return p

if __name__ == "__main__":
    import jax
    _d = setup_inputs()
    print(jax.jit(kernel)(*tuple(_d.values())))

</pallas_src>

<mosaic_0001>
#map = affine_map<(d0, d1) -> (0)>
#map1 = affine_map<(d0, d1) -> (0, 0)>
module attributes {stable_mosaic.version = 14 : i64} {
  func.func @run(%arg0: i32, %arg1: i32, %arg2: memref<1xi32, #tpu.memory_space<hbm>>, %arg3: memref<1xi32, #tpu.memory_space<hbm>>, %arg4: memref<100000x128xf32, #tpu.memory_space<hbm>>, %arg5: memref<200000x128xf32, #tpu.memory_space<hbm>>, %arg6: memref<1xf32, #tpu.memory_space<hbm>>, %arg7: memref<1xi32, #tpu.memory_space<vmem>>, %arg8: memref<16xi32, #tpu.memory_space<vmem>>, %arg9: memref<16xi32, #tpu.memory_space<vmem>>, %arg10: memref<!tpu.dma_semaphore, #tpu.memory_space<semaphore_mem>>, %arg11: memref<1x128xf32, #tpu.memory_space<vmem>>, %arg12: memref<16x128xf32, #tpu.memory_space<vmem>>, %arg13: memref<256xf32, #tpu.memory_space<vmem>>, %arg14: memref<16xf32, #tpu.memory_space<vmem>>, %arg15: memref<!tpu.dma_semaphore, #tpu.memory_space<semaphore_mem>>, %arg16: memref<!tpu.dma_semaphore, #tpu.memory_space<semaphore_mem>>) attributes {dimension_semantics = [#tpu.dimension_semantics<core_parallel>, #tpu.dimension_semantics<subcore_parallel>], iteration_bounds = array<i64: 1, 1>, scalar_prefetch = 0 : i64, scratch_operands = 10 : i64, tpu.core_type = #tpu.core_type<sc_vector_subcore>, window_params = [{transform_indices = #map}, {transform_indices = #map}, {transform_indices = #map1}, {transform_indices = #map1}, {transform_indices = #map}]} {
    tpu.enqueue_dma source(%arg2 : memref<1xi32, #tpu.memory_space<hbm>>) target(%arg7 : memref<1xi32, #tpu.memory_space<vmem>>) target_semaphore(%arg15 : memref<!tpu.dma_semaphore, #tpu.memory_space<semaphore_mem>>)
    %dma_start3A = arith.constant 0 : i32
    %dma_start3A_0 = tpu.memref_slice %arg8[%dma_start3A] : memref<16xi32, #tpu.memory_space<vmem>> -> memref<1xi32, #tpu.memory_space<vmem>>
    %dma_start3A_1 = arith.constant 0 : i32
    %dma_start3A_2 = tpu.memref_slice %arg8[%dma_start3A_1] : memref<16xi32, #tpu.memory_space<vmem>> -> memref<1xi32, #tpu.memory_space<vmem>>
    tpu.enqueue_dma source(%arg3 : memref<1xi32, #tpu.memory_space<hbm>>) target(%dma_start3A_2 : memref<1xi32, #tpu.memory_space<vmem>>) target_semaphore(%arg16 : memref<!tpu.dma_semaphore, #tpu.memory_space<semaphore_mem>>)
    %dma_wait3A = arith.constant 0 : i32
    %dma_wait3A_3 = tpu.memref_slice %arg8[%dma_wait3A] : memref<16xi32, #tpu.memory_space<vmem>> -> memref<1xi32, #tpu.memory_space<vmem>>
    %dma_wait3A_4 = arith.constant 0 : i32
    %dma_wait3A_5 = tpu.memref_slice %arg8[%dma_wait3A_4] : memref<16xi32, #tpu.memory_space<vmem>> -> memref<1xi32, #tpu.memory_space<vmem>>
    tpu.wait_dma2 semaphore(%arg16 : memref<!tpu.dma_semaphore, #tpu.memory_space<semaphore_mem>>) src(%arg3 : memref<1xi32, #tpu.memory_space<hbm>>) dst(%dma_wait3A_5 : memref<1xi32, #tpu.memory_space<vmem>>)
    %get3A = arith.constant 0 : index
    %get3A_6 = tpu.vector_load %arg8[%get3A] {strides = array<i32>} : memref<16xi32, #tpu.memory_space<vmem>>, vector<16xi32>,
    %slice3A = vector.extract_strided_slice %get3A_6 {offsets = [0], sizes = [1], strides = [1]} : vector<16xi32> to vector<1xi32>
    %squeeze3A = vector.extract %slice3A[0] : i32 from vector<1xi32>
    %add3A = arith.constant 100000 : i32
    %add3A_7 = arith.addi %squeeze3A, %add3A : i32
    %broadcast_in_dim3A = vector.broadcast %add3A_7 : i32 to vector<16xi32>
    %iota3A = tpu.iota {dimensions = array<i32: 0>} : vector<16xi32>
    %add3A_8 = arith.constant 1 : i32
    %add3A_9 = vector.broadcast %add3A_8 : i32 to vector<16xi32>
    %add3A_10 = arith.addi %iota3A, %add3A_9 : vector<16xi32>
    %shift_right_logical3A = arith.shrui %broadcast_in_dim3A, %add3A_10 : vector<16xi32>
    %swap3A = arith.constant 0 : index
    %swap3A_11 = tpu.vector_load %arg9[%swap3A] {strides = array<i32>} : memref<16xi32, #tpu.memory_space<vmem>>, vector<16xi32>,
    tpu.vector_store %arg9[%swap3A], %shift_right_logical3A {strides = array<i32>} : memref<16xi32, #tpu.memory_space<vmem>>, vector<16xi32>,
    %dma_start3A_12 = arith.constant 0 : i32
    %dma_start3A_13 = arith.constant 0 : i32
    %dma_start3A_14 = tpu.memref_slice %arg12[%dma_start3A_12, %dma_start3A_13] : memref<16x128xf32, #tpu.memory_space<vmem>> -> memref<8x128xf32, #tpu.memory_space<vmem>>
    %dma_start3A_15 = arith.constant 0 : i32
    %dma_start3A_16 = tpu.memref_slice %arg9[%dma_start3A_15] : memref<16xi32, #tpu.memory_space<vmem>> -> memref<8xi32, #tpu.memory_space<vmem>>
    %dma_start3A_17 = arith.constant 0 : i32
    %dma_start3A_18 = arith.constant 0 : i32
    %dma_start3A_19 = tpu.memref_slice %arg5[%dma_start3A_17, %dma_start3A_18] : memref<200000x128xf32, #tpu.memory_space<hbm>> -> memref<200000x128xf32, #tpu.memory_space<hbm>>
    tpu.enqueue_indirect_dma source(%dma_start3A_19 : memref<200000x128xf32, #tpu.memory_space<hbm>>) target(%dma_start3A_14 : memref<8x128xf32, #tpu.memory_space<vmem>>) offsets(%dma_start3A_16 : memref<8xi32, #tpu.memory_space<vmem>>) semaphore(%arg16 : memref<!tpu.dma_semaphore, #tpu.memory_space<semaphore_mem>>)
    %dma_start3A_20 = arith.constant 8 : i32
    %dma_start3A_21 = arith.constant 0 : i32
    %dma_start3A_22 = tpu.memref_slice %arg12[%dma_start3A_20, %dma_start3A_21] : memref<16x128xf32, #tpu.memory_space<vmem>> -> memref<8x128xf32, #tpu.memory_space<vmem>>
    %dma_start3A_23 = arith.constant 8 : i32
    %dma_start3A_24 = tpu.memref_slice %arg9[%dma_start3A_23] : memref<16xi32, #tpu.memory_space<vmem>> -> memref<8xi32, #tpu.memory_space<vmem>>
    %dma_start3A_25 = arith.constant 0 : i32
    %dma_start3A_26 = arith.constant 0 : i32
    %dma_start3A_27 = tpu.memref_slice %arg5[%dma_start3A_25, %dma_start3A_26] : memref<200000x128xf32, #tpu.memory_space<hbm>> -> memref<200000x128xf32, #tpu.memory_space<hbm>>
    tpu.enqueue_indirect_dma source(%dma_start3A_27 : memref<200000x128xf32, #tpu.memory_space<hbm>>) target(%dma_start3A_22 : memref<8x128xf32, #tpu.memory_space<vmem>>) offsets(%dma_start3A_24 : memref<8xi32, #tpu.memory_space<vmem>>) semaphore(%arg10 : memref<!tpu.dma_semaphore, #tpu.memory_space<semaphore_mem>>)
    tpu.wait_dma2 semaphore(%arg15 : memref<!tpu.dma_semaphore, #tpu.memory_space<semaphore_mem>>) src(%arg2 : memref<1xi32, #tpu.memory_space<hbm>>) dst(%arg7 : memref<1xi32, #tpu.memory_space<vmem>>)
    %dma_start3A_28 = arith.constant 0 : i32
    %dma_start3A_29 = arith.constant 0 : i32
    %dma_start3A_30 = tpu.memref_slice %arg4[%dma_start3A_28, %dma_start3A_29] : memref<100000x128xf32, #tpu.memory_space<hbm>> -> memref<100000x128xf32, #tpu.memory_space<hbm>>
    tpu.enqueue_indirect_dma source(%dma_start3A_30 : memref<100000x128xf32, #tpu.memory_space<hbm>>) target(%arg11 : memref<1x128xf32, #tpu.memory_space<vmem>>) offsets(%arg7 : memref<1xi32, #tpu.memory_space<vmem>>) semaphore(%arg15 : memref<!tpu.dma_semaphore, #tpu.memory_space<semaphore_mem>>)
    %shift_right_logical3A_31 = arith.shrui %broadcast_in_dim3A, %iota3A : vector<16xi32>
    %and3A = arith.constant 1 : i32
    %and3A_32 = vector.broadcast %and3A : i32 to vector<16xi32>
    %and3A_33 = arith.andi %shift_right_logical3A_31, %and3A_32 : vector<16xi32>
    %mul3A = arith.constant 2 : i32
    %mul3A_34 = vector.broadcast %mul3A : i32 to vector<16xi32>
    %mul3A_35 = arith.muli %mul3A_34, %and3A_33 : vector<16xi32>
    %sub3A = arith.constant 1 : i32
    %sub3A_36 = vector.broadcast %sub3A : i32 to vector<16xi32>
    %sub3A_37 = arith.subi %sub3A_36, %mul3A_35 : vector<16xi32>
    %convert_element_type3A = arith.sitofp %sub3A_37 : vector<16xi32> to vector<16xf32>
    %ge3A = arith.constant 2 : i32
    %ge3A_38 = vector.broadcast %ge3A : i32 to vector<16xi32>
    %ge3A_39 = arith.cmpi sge, %shift_right_logical3A, %ge3A_38 : vector<16xi32>
    %dma_wait3A_40 = arith.constant 0 : i32
    %dma_wait3A_41 = arith.constant 0 : i32
    %dma_wait3A_42 = tpu.memref_slice %arg4[%dma_wait3A_40, %dma_wait3A_41] : memref<100000x128xf32, #tpu.memory_space<hbm>> -> memref<100000x128xf32, #tpu.memory_space<hbm>>
    tpu.wait_indirect_dma semaphore(%arg15 : memref<!tpu.dma_semaphore, #tpu.memory_space<semaphore_mem>>) src(%dma_wait3A_42 : memref<100000x128xf32, #tpu.memory_space<hbm>>) dst(%arg11 : memref<1x128xf32, #tpu.memory_space<vmem>>)
    %dma_wait3A_43 = arith.constant 0 : i32
    %dma_wait3A_44 = arith.constant 0 : i32
    %dma_wait3A_45 = tpu.memref_slice %arg12[%dma_wait3A_43, %dma_wait3A_44] : memref<16x128xf32, #tpu.memory_space<vmem>> -> memref<8x128xf32, #tpu.memory_space<vmem>>
    %dma_wait3A_46 = arith.constant 0 : i32
    %dma_wait3A_47 = tpu.memref_slice %arg9[%dma_wait3A_46] : memref<16xi32, #tpu.memory_space<vmem>> -> memref<8xi32, #tpu.memory_space<vmem>>
    %dma_wait3A_48 = arith.constant 0 : i32
    %dma_wait3A_49 = arith.constant 0 : i32
    %dma_wait3A_50 = tpu.memref_slice %arg5[%dma_wait3A_48, %dma_wait3A_49] : memref<200000x128xf32, #tpu.memory_space<hbm>> -> memref<200000x128xf32, #tpu.memory_space<hbm>>
    tpu.wait_indirect_dma semaphore(%arg16 : memref<!tpu.dma_semaphore, #tpu.memory_space<semaphore_mem>>) src(%dma_wait3A_50 : memref<200000x128xf32, #tpu.memory_space<hbm>>) dst(%dma_wait3A_45 : memref<8x128xf32, #tpu.memory_space<vmem>>)
    %dma_wait3A_51 = arith.constant 8 : i32
    %dma_wait3A_52 = arith.constant 0 : i32
    %dma_wait3A_53 = tpu.memref_slice %arg12[%dma_wait3A_51, %dma_wait3A_52] : memref<16x128xf32, #tpu.memory_space<vmem>> -> memref<8x128xf32, #tpu.memory_space<vmem>>
    %dma_wait3A_54 = arith.constant 8 : i32
    %dma_wait3A_55 = tpu.memref_slice %arg9[%dma_wait3A_54] : memref<16xi32, #tpu.memory_space<vmem>> -> memref<8xi32, #tpu.memory_space<vmem>>
    %dma_wait3A_56 = arith.constant 0 : i32
    %dma_wait3A_57 = arith.constant 0 : i32
    %dma_wait3A_58 = tpu.memref_slice %arg5[%dma_wait3A_56, %dma_wait3A_57] : memref<200000x128xf32, #tpu.memory_space<hbm>> -> memref<200000x128xf32, #tpu.memory_space<hbm>>
    tpu.wait_indirect_dma semaphore(%arg10 : memref<!tpu.dma_semaphore, #tpu.memory_space<semaphore_mem>>) src(%dma_wait3A_58 : memref<200000x128xf32, #tpu.memory_space<hbm>>) dst(%dma_wait3A_53 : memref<8x128xf32, #tpu.memory_space<vmem>>)
    %get3A_59 = arith.constant 0 : i32
    %get3A_60 = arith.index_cast %get3A_59 : i32 to index
    %get3A_61 = arith.constant 0 : index
    %get3A_62 = tpu.vector_load %arg11[%get3A_60, %get3A_61] {strides = array<i32>} : memref<1x128xf32, #tpu.memory_space<vmem>>, vector<16xf32>,
    %get3A_63 = arith.constant 0 : i32
    %get3A_64 = arith.index_cast %get3A_63 : i32 to index
    %get3A_65 = arith.constant 16 : index
    %get3A_66 = tpu.vector_load %arg11[%get3A_64, %get3A_65] {strides = array<i32>} : memref<1x128xf32, #tpu.memory_space<vmem>>, vector<16xf32>,
    %get3A_67 = arith.constant 0 : i32
    %get3A_68 = arith.index_cast %get3A_67 : i32 to index
    %get3A_69 = arith.constant 32 : index
    %get3A_70 = tpu.vector_load %arg11[%get3A_68, %get3A_69] {strides = array<i32>} : memref<1x128xf32, #tpu.memory_space<vmem>>, vector<16xf32>,
    %get3A_71 = arith.constant 0 : i32
    %get3A_72 = arith.index_cast %get3A_71 : i32 to index
    %get3A_73 = arith.constant 48 : index
    %get3A_74 = tpu.vector_load %arg11[%get3A_72, %get3A_73] {strides = array<i32>} : memref<1x128xf32, #tpu.memory_space<vmem>>, vector<16xf32>,
    %get3A_75 = arith.constant 0 : i32
    %get3A_76 = arith.index_cast %get3A_75 : i32 to index
    %get3A_77 = arith.constant 64 : index
    %get3A_78 = tpu.vector_load %arg11[%get3A_76, %get3A_77] {strides = array<i32>} : memref<1x128xf32, #tpu.memory_space<vmem>>, vector<16xf32>,
    %get3A_79 = arith.constant 0 : i32
    %get3A_80 = arith.index_cast %get3A_79 : i32 to index
    %get3A_81 = arith.constant 80 : index
    %get3A_82 = tpu.vector_load %arg11[%get3A_80, %get3A_81] {strides = array<i32>} : memref<1x128xf32, #tpu.memory_space<vmem>>, vector<16xf32>,
    %get3A_83 = arith.constant 0 : i32
    %get3A_84 = arith.index_cast %get3A_83 : i32 to index
    %get3A_85 = arith.constant 96 : index
    %get3A_86 = tpu.vector_load %arg11[%get3A_84, %get3A_85] {strides = array<i32>} : memref<1x128xf32, #tpu.memory_space<vmem>>, vector<16xf32>,
    %get3A_87 = arith.constant 0 : i32
    %get3A_88 = arith.index_cast %get3A_87 : i32 to index
    %get3A_89 = arith.constant 112 : index
    %get3A_90 = tpu.vector_load %arg11[%get3A_88, %get3A_89] {strides = array<i32>} : memref<1x128xf32, #tpu.memory_space<vmem>>, vector<16xf32>,
    %scan3A = arith.constant 0 : i32
    %scan3A_91 = arith.constant 0 : i32
    %scan3A_92 = arith.constant 16 : i32
    %scan3A_93 = arith.addi %scan3A_91, %scan3A_92 : i32
    %scan3A_94 = arith.constant 1 : i32
    scf.for %scan3A_216 = %scan3A_91 to %scan3A_93 step %scan3A_94  : i32 {
      %get3A_217 = arith.index_cast %scan3A_216 : i32 to index
      %get3A_218 = arith.constant 0 : index
      %get3A_219 = tpu.vector_load %arg12[%get3A_217, %get3A_218] {strides = array<i32>} : memref<16x128xf32, #tpu.memory_space<vmem>>, vector<16xf32>,
      %mul3A_220 = arith.mulf %get3A_219, %get3A_62 : vector<16xf32>
      %get3A_221 = arith.index_cast %scan3A_216 : i32 to index
      %get3A_222 = arith.constant 16 : index
      %get3A_223 = tpu.vector_load %arg12[%get3A_221, %get3A_222] {strides = array<i32>} : memref<16x128xf32, #tpu.memory_space<vmem>>, vector<16xf32>,
      %mul3A_224 = arith.mulf %get3A_223, %get3A_66 : vector<16xf32>
      %add3A_225 = arith.addf %mul3A_220, %mul3A_224 : vector<16xf32>
      %get3A_226 = arith.index_cast %scan3A_216 : i32 to index
      %get3A_227 = arith.constant 32 : index
      %get3A_228 = tpu.vector_load %arg12[%get3A_226, %get3A_227] {strides = array<i32>} : memref<16x128xf32, #tpu.memory_space<vmem>>, vector<16xf32>,
      %mul3A_229 = arith.mulf %get3A_228, %get3A_70 : vector<16xf32>
      %add3A_230 = arith.addf %add3A_225, %mul3A_229 : vector<16xf32>
      %get3A_231 = arith.index_cast %scan3A_216 : i32 to index
      %get3A_232 = arith.constant 48 : index
      %get3A_233 = tpu.vector_load %arg12[%get3A_231, %get3A_232] {strides = array<i32>} : memref<16x128xf32, #tpu.memory_space<vmem>>, vector<16xf32>,
      %mul3A_234 = arith.mulf %get3A_233, %get3A_74 : vector<16xf32>
      %add3A_235 = arith.addf %add3A_230, %mul3A_234 : vector<16xf32>
      %get3A_236 = arith.index_cast %scan3A_216 : i32 to index
      %get3A_237 = arith.constant 64 : index
      %get3A_238 = tpu.vector_load %arg12[%get3A_236, %get3A_237] {strides = array<i32>} : memref<16x128xf32, #tpu.memory_space<vmem>>, vector<16xf32>,
      %mul3A_239 = arith.mulf %get3A_238, %get3A_78 : vector<16xf32>
      %add3A_240 = arith.addf %add3A_235, %mul3A_239 : vector<16xf32>
      %get3A_241 = arith.index_cast %scan3A_216 : i32 to index
      %get3A_242 = arith.constant 80 : index
      %get3A_243 = tpu.vector_load %arg12[%get3A_241, %get3A_242] {strides = array<i32>} : memref<16x128xf32, #tpu.memory_space<vmem>>, vector<16xf32>,
      %mul3A_244 = arith.mulf %get3A_243, %get3A_82 : vector<16xf32>
      %add3A_245 = arith.addf %add3A_240, %mul3A_244 : vector<16xf32>
      %get3A_246 = arith.index_cast %scan3A_216 : i32 to index
      %get3A_247 = arith.constant 96 : index
      %get3A_248 = tpu.vector_load %arg12[%get3A_246, %get3A_247] {strides = array<i32>} : memref<16x128xf32, #tpu.memory_space<vmem>>, vector<16xf32>,
      %mul3A_249 = arith.mulf %get3A_248, %get3A_86 : vector<16xf32>
      %add3A_250 = arith.addf %add3A_245, %mul3A_249 : vector<16xf32>
      %get3A_251 = arith.index_cast %scan3A_216 : i32 to index
      %get3A_252 = arith.constant 112 : index
      %get3A_253 = tpu.vector_load %arg12[%get3A_251, %get3A_252] {strides = array<i32>} : memref<16x128xf32, #tpu.memory_space<vmem>>, vector<16xf32>,
      %mul3A_254 = arith.mulf %get3A_253, %get3A_90 : vector<16xf32>
      %add3A_255 = arith.addf %add3A_250, %mul3A_254 : vector<16xf32>
      %mul3A_256 = arith.constant 16 : i32
      %mul3A_257 = arith.muli %mul3A_256, %scan3A_216 : i32
      %multiple_of3A = tpu.assume_multiple %mul3A_257, 16 : i32
      %swap3A_258 = arith.index_cast %multiple_of3A : i32 to index
      %swap3A_259 = tpu.vector_load %arg13[%swap3A_258] {strides = array<i32>} : memref<256xf32, #tpu.memory_space<vmem>>, vector<16xf32>,
      tpu.vector_store %arg13[%swap3A_258], %add3A_255 {strides = array<i32>} : memref<256xf32, #tpu.memory_space<vmem>>, vector<16xf32>,
    }
    %scan3A_95 = arith.constant 16 : i32
    %mul3A_96 = arith.constant 16 : i32
    %mul3A_97 = vector.broadcast %mul3A_96 : i32 to vector<16xi32>
    %mul3A_98 = arith.muli %iota3A, %mul3A_97 : vector<16xi32>
    %add3A_99 = arith.constant 0 : i32
    %add3A_100 = vector.broadcast %add3A_99 : i32 to vector<16xi32>
    %add3A_101 = arith.addi %mul3A_98, %add3A_100 : vector<16xi32>
    %gather3A = tpu.vector_load_idx %arg13[%add3A_101] : memref<256xf32, #tpu.memory_space<vmem>>[vector<16xi32>], vector<16xf32>,
    %add3A_102 = arith.constant 1 : i32
    %add3A_103 = vector.broadcast %add3A_102 : i32 to vector<16xi32>
    %add3A_104 = arith.addi %mul3A_98, %add3A_103 : vector<16xi32>
    %gather3A_105 = tpu.vector_load_idx %arg13[%add3A_104] : memref<256xf32, #tpu.memory_space<vmem>>[vector<16xi32>], vector<16xf32>,
    %add3A_106 = arith.constant 2 : i32
    %add3A_107 = vector.broadcast %add3A_106 : i32 to vector<16xi32>
    %add3A_108 = arith.addi %mul3A_98, %add3A_107 : vector<16xi32>
    %gather3A_109 = tpu.vector_load_idx %arg13[%add3A_108] : memref<256xf32, #tpu.memory_space<vmem>>[vector<16xi32>], vector<16xf32>,
    %add3A_110 = arith.constant 3 : i32
    %add3A_111 = vector.broadcast %add3A_110 : i32 to vector<16xi32>
    %add3A_112 = arith.addi %mul3A_98, %add3A_111 : vector<16xi32>
    %gather3A_113 = tpu.vector_load_idx %arg13[%add3A_112] : memref<256xf32, #tpu.memory_space<vmem>>[vector<16xi32>], vector<16xf32>,
    %add3A_114 = arith.constant 4 : i32
    %add3A_115 = vector.broadcast %add3A_114 : i32 to vector<16xi32>
    %add3A_116 = arith.addi %mul3A_98, %add3A_115 : vector<16xi32>
    %gather3A_117 = tpu.vector_load_idx %arg13[%add3A_116] : memref<256xf32, #tpu.memory_space<vmem>>[vector<16xi32>], vector<16xf32>,
    %add3A_118 = arith.constant 5 : i32
    %add3A_119 = vector.broadcast %add3A_118 : i32 to vector<16xi32>
    %add3A_120 = arith.addi %mul3A_98, %add3A_119 : vector<16xi32>
    %gather3A_121 = tpu.vector_load_idx %arg13[%add3A_120] : memref<256xf32, #tpu.memory_space<vmem>>[vector<16xi32>], vector<16xf32>,
    %add3A_122 = arith.constant 6 : i32
    %add3A_123 = vector.broadcast %add3A_122 : i32 to vector<16xi32>
    %add3A_124 = arith.addi %mul3A_98, %add3A_123 : vector<16xi32>
    %gather3A_125 = tpu.vector_load_idx %arg13[%add3A_124] : memref<256xf32, #tpu.memory_space<vmem>>[vector<16xi32>], vector<16xf32>,
    %add3A_126 = arith.constant 7 : i32
    %add3A_127 = vector.broadcast %add3A_126 : i32 to vector<16xi32>
    %add3A_128 = arith.addi %mul3A_98, %add3A_127 : vector<16xi32>
    %gather3A_129 = tpu.vector_load_idx %arg13[%add3A_128] : memref<256xf32, #tpu.memory_space<vmem>>[vector<16xi32>], vector<16xf32>,
    %add3A_130 = arith.constant 8 : i32
    %add3A_131 = vector.broadcast %add3A_130 : i32 to vector<16xi32>
    %add3A_132 = arith.addi %mul3A_98, %add3A_131 : vector<16xi32>
    %gather3A_133 = tpu.vector_load_idx %arg13[%add3A_132] : memref<256xf32, #tpu.memory_space<vmem>>[vector<16xi32>], vector<16xf32>,
    %add3A_134 = arith.constant 9 : i32
    %add3A_135 = vector.broadcast %add3A_134 : i32 to vector<16xi32>
    %add3A_136 = arith.addi %mul3A_98, %add3A_135 : vector<16xi32>
    %gather3A_137 = tpu.vector_load_idx %arg13[%add3A_136] : memref<256xf32, #tpu.memory_space<vmem>>[vector<16xi32>], vector<16xf32>,
    %add3A_138 = arith.constant 10 : i32
    %add3A_139 = vector.broadcast %add3A_138 : i32 to vector<16xi32>
    %add3A_140 = arith.addi %mul3A_98, %add3A_139 : vector<16xi32>
    %gather3A_141 = tpu.vector_load_idx %arg13[%add3A_140] : memref<256xf32, #tpu.memory_space<vmem>>[vector<16xi32>], vector<16xf32>,
    %add3A_142 = arith.constant 11 : i32
    %add3A_143 = vector.broadcast %add3A_142 : i32 to vector<16xi32>
    %add3A_144 = arith.addi %mul3A_98, %add3A_143 : vector<16xi32>
    %gather3A_145 = tpu.vector_load_idx %arg13[%add3A_144] : memref<256xf32, #tpu.memory_space<vmem>>[vector<16xi32>], vector<16xf32>,
    %add3A_146 = arith.constant 12 : i32
    %add3A_147 = vector.broadcast %add3A_146 : i32 to vector<16xi32>
    %add3A_148 = arith.addi %mul3A_98, %add3A_147 : vector<16xi32>
    %gather3A_149 = tpu.vector_load_idx %arg13[%add3A_148] : memref<256xf32, #tpu.memory_space<vmem>>[vector<16xi32>], vector<16xf32>,
    %add3A_150 = arith.constant 13 : i32
    %add3A_151 = vector.broadcast %add3A_150 : i32 to vector<16xi32>
    %add3A_152 = arith.addi %mul3A_98, %add3A_151 : vector<16xi32>
    %gather3A_153 = tpu.vector_load_idx %arg13[%add3A_152] : memref<256xf32, #tpu.memory_space<vmem>>[vector<16xi32>], vector<16xf32>,
    %add3A_154 = arith.constant 14 : i32
    %add3A_155 = vector.broadcast %add3A_154 : i32 to vector<16xi32>
    %add3A_156 = arith.addi %mul3A_98, %add3A_155 : vector<16xi32>
    %gather3A_157 = tpu.vector_load_idx %arg13[%add3A_156] : memref<256xf32, #tpu.memory_space<vmem>>[vector<16xi32>], vector<16xf32>,
    %add3A_158 = arith.constant 15 : i32
    %add3A_159 = vector.broadcast %add3A_158 : i32 to vector<16xi32>
    %add3A_160 = arith.addi %mul3A_98, %add3A_159 : vector<16xi32>
    %gather3A_161 = tpu.vector_load_idx %arg13[%add3A_160] : memref<256xf32, #tpu.memory_space<vmem>>[vector<16xi32>], vector<16xf32>,
    %add3A_162 = arith.addf %gather3A, %gather3A_105 : vector<16xf32>
    %add3A_163 = arith.addf %gather3A_109, %gather3A_113 : vector<16xf32>
    %add3A_164 = arith.addf %gather3A_117, %gather3A_121 : vector<16xf32>
    %add3A_165 = arith.addf %gather3A_125, %gather3A_129 : vector<16xf32>
    %add3A_166 = arith.addf %gather3A_133, %gather3A_137 : vector<16xf32>
    %add3A_167 = arith.addf %gather3A_141, %gather3A_145 : vector<16xf32>
    %add3A_168 = arith.addf %gather3A_149, %gather3A_153 : vector<16xf32>
    %add3A_169 = arith.addf %gather3A_157, %gather3A_161 : vector<16xf32>
    %add3A_170 = arith.addf %add3A_162, %add3A_163 : vector<16xf32>
    %add3A_171 = arith.addf %add3A_164, %add3A_165 : vector<16xf32>
    %add3A_172 = arith.addf %add3A_166, %add3A_167 : vector<16xf32>
    %add3A_173 = arith.addf %add3A_168, %add3A_169 : vector<16xf32>
    %add3A_174 = arith.addf %add3A_170, %add3A_171 : vector<16xf32>
    %add3A_175 = arith.addf %add3A_172, %add3A_173 : vector<16xf32>
    %add3A_176 = arith.addf %add3A_174, %add3A_175 : vector<16xf32>
    %mul3A_177 = arith.mulf %convert_element_type3A, %add3A_176 : vector<16xf32>
    %neg3A = arith.constant 0.000000e+00 : f32
    %neg3A_178 = vector.broadcast %neg3A : f32 to vector<16xf32>
    %neg3A_179 = arith.subf %neg3A_178, %mul3A_177 : vector<16xf32>
    %exp3A = math.exp %neg3A_179 : vector<16xf32>
    %add3A_180 = arith.constant 1.000000e+00 : f32
    %add3A_181 = vector.broadcast %add3A_180 : f32 to vector<16xf32>
    %add3A_182 = arith.addf %add3A_181, %exp3A : vector<16xf32>
    %div3A = arith.constant 1.000000e+00 : f32
    %div3A_183 = vector.broadcast %div3A : f32 to vector<16xf32>
    %div3A_184 = arith.divf %div3A_183, %add3A_182 : vector<16xf32>
    %broadcast_in_dim3A_185 = arith.constant 1.000000e+00 : f32
    %broadcast_in_dim3A_186 = vector.broadcast %broadcast_in_dim3A_185 : f32 to vector<16xf32>
    %select_n3A = arith.select %ge3A_39, %div3A_184, %broadcast_in_dim3A_186 : vector<16xi1>, vector<16xf32>
    %swap3A_187 = arith.constant 0 : index
    %swap3A_188 = tpu.vector_load %arg14[%swap3A_187] {strides = array<i32>} : memref<16xf32, #tpu.memory_space<vmem>>, vector<16xf32>,
    tpu.vector_store %arg14[%swap3A_187], %select_n3A {strides = array<i32>} : memref<16xf32, #tpu.memory_space<vmem>>, vector<16xf32>,
    %xor3A = arith.constant 8 : i32
    %xor3A_189 = vector.broadcast %xor3A : i32 to vector<16xi32>
    %xor3A_190 = arith.xori %iota3A, %xor3A_189 : vector<16xi32>
    %gather3A_191 = tpu.vector_load_idx %arg14[%xor3A_190] : memref<16xf32, #tpu.memory_space<vmem>>[vector<16xi32>], vector<16xf32>,
    %mul3A_192 = arith.mulf %select_n3A, %gather3A_191 : vector<16xf32>
    %swap3A_193 = arith.constant 0 : index
    %swap3A_194 = tpu.vector_load %arg14[%swap3A_193] {strides = array<i32>} : memref<16xf32, #tpu.memory_space<vmem>>, vector<16xf32>,
    tpu.vector_store %arg14[%swap3A_193], %mul3A_192 {strides = array<i32>} : memref<16xf32, #tpu.memory_space<vmem>>, vector<16xf32>,
    %xor3A_195 = arith.constant 4 : i32
    %xor3A_196 = vector.broadcast %xor3A_195 : i32 to vector<16xi32>
    %xor3A_197 = arith.xori %iota3A, %xor3A_196 : vector<16xi32>
    %gather3A_198 = tpu.vector_load_idx %arg14[%xor3A_197] : memref<16xf32, #tpu.memory_space<vmem>>[vector<16xi32>], vector<16xf32>,
    %mul3A_199 = arith.mulf %mul3A_192, %gather3A_198 : vector<16xf32>
    %swap3A_200 = arith.constant 0 : index
    %swap3A_201 = tpu.vector_load %arg14[%swap3A_200] {strides = array<i32>} : memref<16xf32, #tpu.memory_space<vmem>>, vector<16xf32>,
    tpu.vector_store %arg14[%swap3A_200], %mul3A_199 {strides = array<i32>} : memref<16xf32, #tpu.memory_space<vmem>>, vector<16xf32>,
    %xor3A_202 = arith.constant 2 : i32
    %xor3A_203 = vector.broadcast %xor3A_202 : i32 to vector<16xi32>
    %xor3A_204 = arith.xori %iota3A, %xor3A_203 : vector<16xi32>
    %gather3A_205 = tpu.vector_load_idx %arg14[%xor3A_204] : memref<16xf32, #tpu.memory_space<vmem>>[vector<16xi32>], vector<16xf32>,
    %mul3A_206 = arith.mulf %mul3A_199, %gather3A_205 : vector<16xf32>
    %swap3A_207 = arith.constant 0 : index
    %swap3A_208 = tpu.vector_load %arg14[%swap3A_207] {strides = array<i32>} : memref<16xf32, #tpu.memory_space<vmem>>, vector<16xf32>,
    tpu.vector_store %arg14[%swap3A_207], %mul3A_206 {strides = array<i32>} : memref<16xf32, #tpu.memory_space<vmem>>, vector<16xf32>,
    %xor3A_209 = arith.constant 1 : i32
    %xor3A_210 = vector.broadcast %xor3A_209 : i32 to vector<16xi32>
    %xor3A_211 = arith.xori %iota3A, %xor3A_210 : vector<16xi32>
    %gather3A_212 = tpu.vector_load_idx %arg14[%xor3A_211] : memref<16xf32, #tpu.memory_space<vmem>>[vector<16xi32>], vector<16xf32>,
    %mul3A_213 = arith.mulf %mul3A_206, %gather3A_212 : vector<16xf32>
    %swap3A_214 = arith.constant 0 : index
    %swap3A_215 = tpu.vector_load %arg14[%swap3A_214] {strides = array<i32>} : memref<16xf32, #tpu.memory_space<vmem>>, vector<16xf32>,
    tpu.vector_store %arg14[%swap3A_214], %mul3A_213 {strides = array<i32>} : memref<16xf32, #tpu.memory_space<vmem>>, vector<16xf32>,
    "tpu.region"() ({
      %run_scoped3A = tpu.sem_alloc : memref<!tpu.dma_semaphore, #tpu.memory_space<semaphore_mem>>
      %dma_start3A_216 = arith.constant 0 : i32
      %dma_start3A_217 = tpu.memref_slice %arg14[%dma_start3A_216] : memref<16xf32, #tpu.memory_space<vmem>> -> memref<1xf32, #tpu.memory_space<vmem>>
      %dma_start3A_218 = arith.constant 0 : i32
      %dma_start3A_219 = tpu.memref_slice %arg14[%dma_start3A_218] : memref<16xf32, #tpu.memory_space<vmem>> -> memref<1xf32, #tpu.memory_space<vmem>>
      tpu.enqueue_dma source(%dma_start3A_219 : memref<1xf32, #tpu.memory_space<vmem>>) target(%arg6 : memref<1xf32, #tpu.memory_space<hbm>>) target_semaphore(%run_scoped3A : memref<!tpu.dma_semaphore, #tpu.memory_space<semaphore_mem>>)
      %dma_wait3A_220 = arith.constant 0 : i32
      %dma_wait3A_221 = tpu.memref_slice %arg14[%dma_wait3A_220] : memref<16xf32, #tpu.memory_space<vmem>> -> memref<1xf32, #tpu.memory_space<vmem>>
      %dma_wait3A_222 = arith.constant 0 : i32
      %dma_wait3A_223 = tpu.memref_slice %arg14[%dma_wait3A_222] : memref<16xf32, #tpu.memory_space<vmem>> -> memref<1xf32, #tpu.memory_space<vmem>>
      tpu.wait_dma2 semaphore(%run_scoped3A : memref<!tpu.dma_semaphore, #tpu.memory_space<semaphore_mem>>) src(%dma_wait3A_223 : memref<1xf32, #tpu.memory_space<vmem>>) dst(%arg6 : memref<1xf32, #tpu.memory_space<hbm>>)
      tpu.yield
    }) : () -> ()
    return
  }
}

</mosaic_0001>

<sc_bundles>
// kernel: kernel.3.cloned.1.call-start
scs
__scs_entry_jumppad:
0x0: {  	(pc) =	sbr.rel $0x88, $3  }
0x1: {  	(tag) =	ssettag $0x0;
	lr =	simm.s32 $0x1  }
0x2: {  	[smem:$0x3F9D] =	sst lr;
	_ =	strace $0xD0000000  }
0x3: {  	_ = 	snop  }
0x4: {  	_ = 	snop  }
0x5: {  	_ = 	snop  }
0x6: {  	_ = 	snop  }
0x7: {  	_ = 	snop  }
__scs_overlays_trampoline_lowered:
0x8: {  	[smem:$0x3FAC] =	sst s0  }
0x9: {  	[smem:$0x3FAD] =	sst s1  }
0xa: {  	[smem:$0x3FAE] =	sst s2  }
0xb: {  	[smem:$0x3FAF] =	sst s3  }
0xc: {  	[smem:$0x3FB0] =	sst s4  }
0xd: {  	[smem:$0x3FB1] =	sst s5  }
0xe: {  	[smem:$0x3FB2] =	sst s6  }
0xf: {  	[smem:$0x3FB3] =	sst s7  }
0x10: {  	[smem:$0x3FB4] =	sst s8  }
0x11: {  	[smem:$0x3FB5] =	sst s9;
	s0 =	simm.s32 @!p0 $0x0  }
0x12: {  	s1 =	sld [smem:$0x3F9B];
	s0 =	simm.s32 @p0 $0x1  }
0x13: {  	[smem:$0x3FB6] =	sst s0;
	s0 =	simm.s32 @!p1 $0x0  }
0x14: {  	s2 =	sld [smem:$0x3F9A];
	s0 =	simm.s32 @p1 $0x1  }
0x15: {  	[smem:$0x3FB7] =	sst s0;
	s0 =	simm.s32 @!p2 $0x0  }
0x16: {  	s3 =	sld [smem:$0x3FDB];
	s0 =	simm.s32 @p2 $0x1  }
0x17: {  	s4 =	simm.s32 $0x1BF5;
	[smem:$0x3FB9] =	sst s0  }
0x18: {  	s0 =	sld [smem:$0x3F9C];
	_ =	swait.ge [sflag:s4], $0x0  }
0x19: {  	s7 =	sld [smem:$0x3F9D]  }
0x1a: {  	s8 =	sadd.s32 $0xFFFFE003, lr  }
0x1b: {  	s9 =	sadd.s32 $0xFFFFFEF7, lr;
	s5 =	simm.s32 $0xFFFFFFFF;
	p2 =	slt.u32 s8, $0xFFFFF086  }
0x1c: {  	p1 =	slt.u32 s9, $0xF7A;
	s5 =	simm.s32 @!p2 $0x0  }
0x1d: {  	s5 =	simm.s32 @p1 $0x1;
	p0 =	seq.s32 s7, s2  }
0x1e: {  	s7 =	smul.u32 @!p0 $0xF7A, s2;
	p2 =	seq.s32 @!p0 s5, $0x0  }
0x1f: {  	s9 =	smul.u32 $0xF7A, s1;
	s8 =	simm.s32 @!p0 $0x1BF5;
	p2 =	por !p2, p0  }
0x20: {  	[sflag:s8] =	ssyncset.s32 @!p0 $0xFFFFF086;
	s6 =	sadd.s32 @!p0 s3, s7;
	s7 =	simm.s32 @!p0 $0x108  }
0x21: {  	s3 =	sadd.s32 s3, s9;
	s6 =	sadd.s32 @!p0 $0x88, s6;
	s7 =	simm.s32 @p2 $0x1082  }
0x22: {  	[simem:s7], [sflag:s8] =	dma.local @!p0 [hbm:s6], $0xF7A  }
0x23: {  	s9 =	sor.u32 $0xD0000000, s2;
	s6 =	simm.s32 $0x108;
	_ =	swait.ge @!p0 [sflag:s8], $0x0  }
0x24: {  	s3 =	sadd.s32 $0x88, s3;
	s6 =	simm.s32 @!p1 $0x1082;
	[sflag:s4] =	ssyncset.s32 $0xFFFFF086  }
0x25: {  	[simem:s6], [sflag:s4] =	dma.local [hbm:s3], $0xF7A  }
0x26: {  	[smem:$0x3F9D] =	sst s1;
	(tag) =	ssettag s2;
	_ =	strace s9  }
0x27: {  	s1 =	sld [smem:$0x3FAD]  }
0x28: {  	s2 =	sld [smem:$0x3FAE]  }
0x29: {  	s4 =	sld [smem:$0x3FB0]  }
0x2a: {  	p0 =	seq.s32 s5, $0x0;
	s5 =	sld [smem:$0x3FB1]  }
0x2b: {  	s6 =	sld [smem:$0x3FB2]  }
0x2c: {  	s7 =	sld [smem:$0x3FB3]  }
0x2d: {  	s3 =	simm.s32 $0x108;
	s8 =	sld [smem:$0x3FB4]  }
0x2e: {  	s3 =	simm.s32 @!p0 $0x1082;
	s9 =	sld [smem:$0x3FB5]  }
0x2f: {  	lr =	sadd.s32 s0, s3;
	s0 =	sld [smem:$0x3FAC]  }
0x30: {  	s3 =	sld [smem:$0x3FAF]  }
0x31: {  	[smem:$0x3FB8] =	sst s10  }
0x32: {  	s10 =	sld [smem:$0x3FB6];
	_ =	sdelay $0x3  }
0x33: {  	p0 =	seq.s32 s10, $0x1;
	s10 =	sld [smem:$0x3FB8];
	_ =	sdelay $0x3  }
0x34: {  	[smem:$0x3FB8] =	sst s10  }
0x35: {  	s10 =	sld [smem:$0x3FB7];
	_ =	sdelay $0x3  }
0x36: {  	p1 =	seq.s32 s10, $0x1;
	s10 =	sld [smem:$0x3FB8];
	_ =	sdelay $0x3  }
0x37: {  	[smem:$0x3FB8] =	sst s10  }
0x38: {  	s10 =	sld [smem:$0x3FB9]  }
0x39: {  	_ = 	snop;
	(pc) =	sbr.ind lr, $3  }
0x3a: {  	_ = 	snop  }
0x3b: {  	_ = 	snop  }
0x3c: {  	p2 =	seq.s32 s10, $0x1;
	s10 =	sld [smem:$0x3FB8]  }
0x3d: {  	_ =	shalt  }
0x3e: {  	_ =	shalt  }
0x3f: {  	_ =	shalt  }
0x40: {  	_ =	shalt  }
0x41: {  	_ =	shalt  }
0x42: {  	_ =	shalt  }
0x43: {  	_ =	shalt  }
0x44: {  	_ =	shalt  }
0x45: {  	_ =	shalt  }
0x46: {  	_ =	shalt  }
0x47: {  	_ =	shalt  }
0x48: {  	_ =	shalt  }
0x49: {  	_ =	shalt  }
0x4a: {  	_ =	shalt  }
0x4b: {  	_ =	shalt  }
0x4c: {  	_ =	shalt  }
0x4d: {  	_ =	shalt  }
0x4e: {  	_ =	shalt  }
0x4f: {  	_ =	shalt  }
0x50: {  	_ =	shalt  }
0x51: {  	_ =	shalt  }
0x52: {  	_ =	shalt  }
0x53: {  	_ =	shalt  }
0x54: {  	_ =	shalt  }
0x55: {  	_ =	shalt  }
0x56: {  	_ =	shalt  }
0x57: {  	_ =	shalt  }
0x58: {  	_ =	shalt  }
0x59: {  	_ =	shalt  }
0x5a: {  	_ =	shalt  }
0x5b: {  	_ =	shalt  }
0x5c: {  	_ =	shalt  }
0x5d: {  	_ =	shalt  }
0x5e: {  	_ =	shalt  }
0x5f: {  	_ =	shalt  }
0x60: {  	_ =	shalt  }
0x61: {  	_ =	shalt  }
0x62: {  	_ =	shalt  }
0x63: {  	_ =	shalt  }
0x64: {  	_ =	shalt  }
0x65: {  	_ =	shalt  }
0x66: {  	_ =	shalt  }
0x67: {  	_ =	shalt  }
0x68: {  	_ =	shalt  }
0x69: {  	_ =	shalt  }
0x6a: {  	_ =	shalt  }
0x6b: {  	_ =	shalt  }
0x6c: {  	_ =	shalt  }
0x6d: {  	_ =	shalt  }
0x6e: {  	_ =	shalt  }
0x6f: {  	_ =	shalt  }
0x70: {  	_ =	shalt  }
0x71: {  	_ =	shalt  }
0x72: {  	_ =	shalt  }
0x73: {  	_ =	shalt  }
0x74: {  	_ =	shalt  }
0x75: {  	_ =	shalt  }
0x76: {  	_ =	shalt  }
0x77: {  	_ =	shalt  }
0x78: {  	_ =	shalt  }
0x79: {  	_ =	shalt  }
0x7a: {  	_ =	shalt  }
0x7b: {  	_ =	shalt  }
0x7c: {  	_ =	shalt  }
0x7d: {  	_ =	shalt  }
0x7e: {  	_ =	shalt  }
0x7f: {  	_ =	shalt  }
0x80: {  	_ =	shalt  }
0x81: {  	_ =	shalt  }
0x82: {  	_ =	shalt  }
0x83: {  	_ =	shalt  }
0x84: {  	_ =	shalt  }
0x85: {  	_ =	shalt  }
0x86: {  	_ =	shalt  }
0x87: {  	_ =	shalt  }
.Lfunc_end0:
.L_simem_size_0:
called_computation_lowered:
.L_overlay_start_0:
0x88: {  	s0 =	sld [smem:$0x3FD9]  }
0x89: {  	s1 =	sld [smem:$0x3FFE];
	_ =	sdelay $0x3  }
0x8a: {  	s0 =	sadd.s32 s1, s0  }
0x8b: {  	[smem:$0x3FC4] =	sst s0  }
0x8c: {  	_ = 	snop  }
0x8d: {  	s0 =	sld [smem:$0x3FC9]  }
0x8e: {  	s17 =	sld [smem:$0x3FC8]  }
0x8f: {  	s2 =	sld [smem:$0x3FC7]  }
0x90: {  	s3 =	sld [smem:$0x3FC6]  }
0x91: {  	s4 =	sld [smem:$0x3FD0];
	(tm) =	ssettm $0x1  }
0x92: {  	s5 =	sld [smem:$0x3FFB];
	_ =	sdelay $0x3  }
0x93: {  	_ =	strace s5  }
0x94: {  	s5 =	sld [smem:$0x3FFC];
	_ =	sdelay $0x3  }
0x95: {  	_ =	strace s5  }
0x96: {  	s5 =	sld [smem:$0x3FFD];
	_ =	sdelay $0x3  }
0x97: {  	_ =	strace s5  }
0x98: {  	_ =	strace $0x8FFFFFFF  }
0x99: {  	s18 =	sld [smem:$0x3FDB];
	_ =	sdelay $0x1  }
0x9a: {  	s6 =	simm.s32 $_scs_section_size  }
0x9b: {  	s7 =	simm.s32 $_size__tile_overlayer_lowered;
	s8 =	simm.s32 $_tile_overlayer_lowered  }
0x9c: {  	s21 =	simm.s32 $0x1BFF;
	s20 =	sshll.u32 s8, $0x1;
	s5 =	sadd.s32 s6, s18  }
0x9d: {  	s9 =	simm.s32 $0x0;
	s19 =	sshll.u32 s7, $0x1;
	s7 =	sadd.s32 s20, s5  }
0x9e: {  	[timem:s9], [sflag:s21] =	dma.local [hbm:s7], s19  }
0x9f: {  	_ =	swait.ge [sflag:s21], s19  }
0xa0: {  	s6 =	ssub.s32 $0x0, s19;
	[sflag:s21] =	ssyncset.done $0x0  }
0xa1: {  	[sflag:s21] =	ssyncadd.s32 s6;
	_ =	sdelay $0x1  }
0xa2: {  	s22 =	simm.s32 $0x1B8B  }
0xa3: {  	_ =	swait.ge [sflag:s22], $0x1  }
0xa4: {  	[sflag:s22] =	ssyncset.done $0x0  }
0xa5: {  	s23 =	simm.s32 $0x1B8E;
	[sflag:s22] =	ssyncadd.s32 $0xFFFFFFFF  }
0xa6: {  	s24 =	simm.s32 $execute0_lowered;
	[smem:$0x3FD2] =	sst s23  }
0xa7: {  	s6 =	sshll.u32 s24, $0x1;
	_ =	strace $0x80000046;
	[dreg:$0x1] =	wrdreg $0xFFFFFFFF  }
0xa8: {  	s25 =	simm.s32 $_size_execute0_lowered;
	s5 =	sadd.s32 s5, s6;
	[dreg:$0x0] =	wrdreg $0x0  }
0xa9: {  	s6 =	sshll.u32 s25, $0x1;
	[dreg:$0x2] =	wrdreg s5  }
0xaa: {  	[dreg:$0x3] =	wrdreg s6  }
0xab: {  	[dreg:$0x4] =	wrdreg $0xC0  }
0xac: {  	_ =	task [dreg:s9], $0x5FFFF  }
0xad: {  	[dreg:$0x1] =	wrdreg $0xFFFFFFFF  }
0xae: {  	[dreg:$0x0] =	wrdreg $0x60  }
0xaf: {  	[dreg:$0x2] =	wrdreg s0  }
0xb0: {  	[dreg:$0x3] =	wrdreg s17  }
0xb1: {  	[dreg:$0x4] =	wrdreg s2  }
0xb2: {  	[dreg:$0x5] =	wrdreg s3  }
0xb3: {  	[dreg:$0x6] =	wrdreg s4  }
0xb4: {  	[dreg:$0x7] =	wrdreg $0x9  }
0xb5: {  	_ =	task.clear_ibuf [dreg:s9], $0x8FFFF;
	_ =	strace $0x90000046  }
0xb6: {  	s26 =	simm.s32 $0x9;
	_ =	strace $0x80000048  }
0xb7: {  	_ =	swait.ge [sflag:s26], $0x1  }
0xb8: {  	[sflag:s26] =	ssyncadd.s32 $0xFFFFFFFF  }
0xb9: {  	_ =	strace $0x90000048  }
0xba: {  	_ =	sfence  }
0xbb: {  	s28 =	sld [smem:$0x0];
	_ =	sdelay $0x1  }
0xbc: {  	s29 =	srdreg.scid  }
0xbd: {  	s30 =	sshll.u32 s29, $0xD;
	s31 =	sshrl.u32 s29, $0x2  }
0xbe: {  	s1 =	sand.u32 $0x1, s29;
	s2 =	sand.u32 $0x4000, s30;
	s0 =	sadd.s32 s31, s28  }
0xbf: {  	s1 =	sor.u32 s2, s1;
	s0 =	sshll.u32 s0, $0x11  }
0xc0: {  	s0 =	sor.u32 s0, s1  }
0xc1: {  	s0 =	sadd.s32 $0x8F2B, s0  }
0xc2: {  	[sflag:s0] =	ssyncadd.remote.s32 $0x1  }
0xc3: {  	_ =	sfence.sel $0xFFFF  }
0xc4: {  	[dreg:$0x0] =	wrdreg $0xFFFFFFFF;
	(pc) =	sbr.abs _section_cstart, $3  }
0xc5: {  	[dreg:$0x1] =	wrdreg $0xFFFFFFFF  }
0xc6: {  	_ =	task.clear_ibuf [dreg:s9], $0x2FFFF;
	_ =	strace $0x9FFFFFFF  }
0xc7: {  	(tm) =	ssettm $0x7FFFFFFF  }
tec
execute0_lowered:
.L_overlay_start_1:
0x0: {  	(tag) =	ssettag $0x1  }
0x1: {  	s2 =	stileid.u32  }
0x2: {  	s6 =	rddreg [dreg:$0x0];
	p0 =	sne.s32 s2, $0x0  }
.Ltmp0:
0x3: {  	s5 =	rddreg [dreg:$0x1];
	(pc) =	sbr.rel @p0 .LBB2_4-.Ltmp0, $4  }
0x4: {  	s3 =	rddreg [dreg:$0x2]  }
0x5: {  	s4 =	rddreg [dreg:$0x3]  }
0x6: {  	s1 =	rddreg [dreg:$0x4]  }
0x7: {  	s0 =	rddreg [dreg:$0x5];
	_ =	strace $0x80000047  }
0x8: {  	s2 =	simm.s32 $0x0  }
0x9: {  	[tilespmem:s2], [sflag:$0x2] =	stream.linear.gather [hbm4b:s6+s2], $0x80, $0x38;
	[tilespmem:$0xB80] =	vst v63  }
0xa: {  	s22 =	simm.s32 $0x80;
	s23 =	simm.s32 $0x3  }
0xb: {  	[tilespmem:s22], [sflag:$0x3] =	stream.linear.gather [hbm4b:s5+s2], $0x1, $0x38;
	[tilespmem:$0xB80] =	vst v63  }
0xc: {  	_ =	swait.ge [sflag:s23], $0x1  }
0xd: {  	[sflag:s23] =	ssyncset.done $0x0  }
0xe: {  	[sflag:s23] =	ssyncadd.s32 $0xFFFFFFFF  }
0xf: {  	v0 =	vld [tilespmem:$0x80];
	_ =	sdelay $0x4  }
0x10: {  	(v2sf) =	vpush v0, $0x0;
	_ =	sdelay $0xe  }
0x11: {  	s24 =	spop (v2sf)  }
0x12: {  	v0 =	vlaneseq.u32;
	s6 =	sadd.s32 $0x186A0, s24  }
0x13: {  	v0 =	vadd.s32 $0x1, v0;
	v1 =	vmov s6  }
0x14: {  	v0 =	vshrl.u32 v1, v0  }
0x15: {  	s25 =	simm.s32 $0x8;
	s7 =	simm.s32 $0x100;
	s8 =	simm.s32 $0x200;
	[tilespmem:$0x100] =	vst v0  }
0x16: {  	[tilespmem:s8], [sflag:$0x3] =	stream.indirect.gather [hbm4b:s4+s25], $0x80, s7, s25, $0xb8;
	[tilespmem:$0xB80] =	vst v63  }
0x17: {  	s26 =	simm.s32 $0x108;
	s28 =	simm.s32 $0x600;
	s29 =	simm.s32 $0x2  }
0x18: {  	[tilespmem:s28], [sflag:$0x1] =	stream.indirect.gather [hbm4b:s4+s25], $0x80, s26, s25, $0xb8;
	[tilespmem:$0xB80] =	vst v63  }
0x19: {  	_ =	swait.ge [sflag:s29], $0x80  }
0x1a: {  	[sflag:s29] =	ssyncset.done $0x0  }
0x1b: {  	s30 =	simm.s32 $0x1;
	s31 =	simm.s32 $0x180;
	[sflag:s29] =	ssyncadd.s32 $0xFFFFFF80  }
0x1c: {  	[tilespmem:s31], [sflag:$0x2] =	stream.indirect.gather [hbm4b:s3+s30], $0x80, s2, s30, $0xb8;
	[tilespmem:$0xB80] =	vst v63  }
0x1d: {  	_ =	swait.ge [sflag:s29], $0x80  }
0x1e: {  	[sflag:s29] =	ssyncset.done $0x0  }
0x1f: {  	[sflag:s29] =	ssyncadd.s32 $0xFFFFFF80  }
0x20: {  	_ =	swait.ge [sflag:s23], $0x400  }
0x21: {  	[sflag:s23] =	ssyncset.done $0x0  }
0x22: {  	[sflag:s23] =	ssyncadd.s32 $0xFFFFFC00  }
0x23: {  	_ =	swait.ge [sflag:s30], $0x400  }
0x24: {  	[sflag:s30] =	ssyncset.done $0x0  }
0x25: {  	[sflag:s30] =	ssyncadd.s32 $0xFFFFFC00  }
0x26: {  	v8 =	vld [tilespmem:$0x180]  }
0x27: {  	v9 =	vld [tilespmem:$0x190]  }
0x28: {  	v7 =	vld [tilespmem:$0x1A0]  }
0x29: {  	v6 =	vld [tilespmem:$0x1B0]  }
0x2a: {  	v5 =	vld [tilespmem:$0x1C0]  }
0x2b: {  	v4 =	vld [tilespmem:$0x1D0]  }
0x2c: {  	v3 =	vld [tilespmem:$0x1E0]  }
0x2d: {  	s3 =	simm.s32 $0x240;
	v2 =	vld [tilespmem:$0x1F0]  }
0x2e: {  	v10 =	vld [tilespmem:s3+$0xFFFFFFC0]  }
0x2f: {  	s4 =	simm.s32 $0x40;
	v11 =	vld [tilespmem:s3+$0xFFFFFFD0]  }
.LBB2_2:
0x30: {  	p1 =	sne.s32 s4, $0x3C0  }
0x31: {  	v12 =	vld [tilespmem:s3+$0xFFFFFFE0];
	_ =	sdelay $0x1  }
0x32: {  	v13 =	vld [tilespmem:s3+$0xFFFFFFF0]  }
0x33: {  	v10 =	vmul.f32 v10, v8;
	v11 =	vmul.f32 v11, v9  }
0x34: {  	v14 =	vld [tilespmem:s3+$0x0]  }
0x35: {  	v10 =	vadd.f32 v11, v10;
	v11 =	vmul.f32 v12, v7  }
0x36: {  	v12 =	vld [tilespmem:s3+$0x10]  }
0x37: {  	v10 =	vadd.f32 v11, v10;
	v11 =	vmul.f32 v13, v6  }
0x38: {  	v13 =	vld [tilespmem:s3+$0x20]  }
0x39: {  	v10 =	vadd.f32 v11, v10;
	v11 =	vmul.f32 v14, v5  }
0x3a: {  	v14 =	vld [tilespmem:s3+$0x30]  }
0x3b: {  	v10 =	vadd.f32 v11, v10;
	v11 =	vmul.f32 v12, v4;
	_ =	sdelay $0x1  }
0x3c: {  	v10 =	vadd.f32 v11, v10;
	v11 =	vmul.f32 v13, v3;
	_ =	sdelay $0x1  }
0x3d: {  	v10 =	vadd.f32 v11, v10;
	v11 =	vmul.f32 v14, v2;
	_ =	sdelay $0x1  }
.Ltmp1:
0x3e: {  	v10 =	vadd.f32 v11, v10;
	(pc) =	sbr.rel @p1 .LBB2_2-.Ltmp1, $4  }
0x3f: {  	s5 =	sshra.s32 s2, $0x2;
	s2 =	smov.u32 s4  }
0x40: {  	s3 =	sadd.s32 $0x80, s3;
	[tilespmem:s5+$0xA00] =	vst v10  }
0x41: {  	v10 =	vld [tilespmem:s3+$0xFFFFFFC0]  }
0x42: {  	s4 =	sadd.s32 $0x40, s4;
	v11 =	vld [tilespmem:s3+$0xFFFFFFD0]  }
0x43: {  	_ = 	snop  }
0x44: {  	v12 =	vld [tilespmem:s3+$0xFFFFFFE0];
	_ =	sdelay $0x1  }
0x45: {  	v13 =	vld [tilespmem:s3+$0xFFFFFFF0]  }
0x46: {  	v8 =	vmul.f32 v10, v8;
	v9 =	vmul.f32 v11, v9  }
0x47: {  	v27 =	vld [tilespmem:s3+$0x0]  }
0x48: {  	v7 =	vmul.f32 v12, v7;
	v8 =	vadd.f32 v9, v8  }
0x49: {  	v28 =	vld [tilespmem:s3+$0x10]  }
0x4a: {  	v6 =	vmul.f32 v13, v6;
	v7 =	vadd.f32 v7, v8  }
0x4b: {  	v29 =	vld [tilespmem:s3+$0x20]  }
0x4c: {  	v5 =	vmul.f32 v27, v5;
	v6 =	vadd.f32 v6, v7  }
0x4d: {  	v30 =	vld [tilespmem:s3+$0x30]  }
0x4e: {  	v4 =	vmul.f32 v28, v4;
	v5 =	vadd.f32 v5, v6;
	_ =	sdelay $0x1  }
0x4f: {  	v31 =	vlaneseq.u32;
	v3 =	vmul.f32 v29, v3;
	v4 =	vadd.f32 v4, v5  }
0x50: {  	v32 =	vmul.u32 $0x10, v31  }
0x51: {  	v2 =	vmul.f32 v30, v2;
	v3 =	vadd.f32 v3, v4  }
0x52: {  	v33 =	vor.u32 $0x1, v32  }
0x53: {  	v34 =	vor.u32 $0x2, v32;
	v2 =	vadd.f32 v2, v3  }
0x54: {  	s2 =	sshra.s32 s2, $0x2;
	v35 =	vor.u32 $0x3, v32  }
0x55: {  	s28 =	simm.s32 $0xA00;
	v36 =	vor.u32 $0x4, v32;
	[tilespmem:s2+$0xA00] =	vst v2  }
0x56: {  	v38 =	vor.u32 $0x5, v32;
	v37 =	vld.idx.msk [tilespmem:v32+s28+$0x0], $0xffff  }
0x57: {  	v39 =	vor.u32 $0x6, v32;
	v4 =	vld.idx.msk [tilespmem:v33+s28+$0x0], $0xffff  }
0x58: {  	v40 =	vor.u32 $0x7, v32;
	v3 =	vld.idx.msk [tilespmem:v34+s28+$0x0], $0xffff  }
0x59: {  	v41 =	vor.u32 $0x8, v32;
	v7 =	vld.idx.msk [tilespmem:v35+s28+$0x0], $0xffff  }
0x5a: {  	v42 =	vor.u32 $0x9, v32;
	v2 =	vld.idx.msk [tilespmem:v36+s28+$0x0], $0xffff  }
0x5b: {  	v14 =	vor.u32 $0xA, v32;
	v9 =	vld.idx.msk [tilespmem:v38+s28+$0x0], $0xffff  }
0x5c: {  	v15 =	vor.u32 $0xB, v32;
	v10 =	vld.idx.msk [tilespmem:v39+s28+$0x0], $0xffff  }
0x5d: {  	v16 =	vor.u32 $0xC, v32;
	v11 =	vld.idx.msk [tilespmem:v40+s28+$0x0], $0xffff  }
0x5e: {  	v17 =	vor.u32 $0xD, v32;
	v12 =	vld.idx.msk [tilespmem:v41+s28+$0x0], $0xffff  }
0x5f: {  	v18 =	vor.u32 $0xE, v32;
	v13 =	vld.idx.msk [tilespmem:v42+s28+$0x0], $0xffff  }
0x60: {  	v6 =	vor.u32 $0xF, v32;
	v14 =	vld.idx.msk [tilespmem:v14+s28+$0x0], $0xffff  }
0x61: {  	v15 =	vld.idx.msk [tilespmem:v15+s28+$0x0], $0xffff  }
0x62: {  	v16 =	vld.idx.msk [tilespmem:v16+s28+$0x0], $0xffff  }
0x63: {  	v17 =	vld.idx.msk [tilespmem:v17+s28+$0x0], $0xffff  }
0x64: {  	v18 =	vld.idx.msk [tilespmem:v18+s28+$0x0], $0xffff  }
0x65: {  	v6 =	vld.idx.msk [tilespmem:v6+s28+$0x0], $0xffff;
	_ =	sdelay $0x1  }
0x66: {  	v4 =	vadd.f32 v4, v37;
	v3 =	vadd.f32 v7, v3  }
0x67: {  	v2 =	vadd.f32 v9, v2;
	v43 =	vadd.f32 v11, v10  }
0x68: {  	v44 =	vadd.f32 v13, v12;
	v45 =	vadd.f32 v15, v14  }
0x69: {  	v46 =	vadd.f32 v17, v16;
	v6 =	vadd.f32 v6, v18  }
0x6a: {  	v3 =	vadd.f32 v3, v4;
	v2 =	vadd.f32 v43, v2  }
0x6b: {  	v1 =	vshrl.u32 v1, v31;
	v47 =	vadd.f32 v45, v44;
	v48 =	vadd.f32 v6, v46  }
0x6c: {  	v1 =	vshll.u32 v1, $0x1  }
0x6d: {  	v1 =	vand.u32 $0x2, v1;
	v2 =	vadd.f32 v2, v3;
	v49 =	vadd.f32 v48, v47  }
0x6e: {  	v1 =	vsub.s32 $0x1, v1  }
0x6f: {  	v1 =	vcvt.s32.f32 v1;
	v2 =	vadd.f32 v49, v2;
	_ =	sdelay $0x1  }
0x70: {  	v1 =	vmul.f32 v1, v2;
	_ =	sdelay $0x1  }
0x71: {  	v1 =	vsub.f32 $0.0e+00, v1;
	_ =	sdelay $0x1  }
0x72: {  	v1 =	vmul.f32 $1.442695020e+00, v1;
	_ =	sdelay $0x1  }
0x73: {  	(erf) = vpow2.f32 v1;
	_ =	sdelay $0x8  }
0x74: {  	v1 =	vpop (erf)  }
0x75: {  	v1 =	vadd.f32 $1.000000000e+00, v1;
	_ =	sdelay $0x1  }
0x76: {  	v50 =	vimm.s32 $0xFEDCBA98;
	(erf) = vrcp.f32 v1  }
0x77: {  	v51 =	vimm.s32 $0x76543210;
	v1 =	vunpack.c.l.s4.s8 v50  }
0x78: {  	v2 =	vunpack.c.l.s4.s8 v51  }
0x79: {  	v1 =	vunpack.c.0.s8.s32 v1  }
0x7a: {  	v2 =	vunpack.c.0.s8.s32 v2  }
0x7b: {  	v1 =	vand.u32 $0xF, v1  }
0x7c: {  	v1 =	vcombine.low v1, v2;
	_ =	sdelay $0x1  }
0x7d: {  	v52 =	vimm.s32 $0xBA98FEDC;
	v53 =	vimm.s32 $0x32107654  }
0x7e: {  	vm0 =	vgt.u32 v0, $0x1;
	v3 =	vunpack.c.l.s4.s8 v53;
	v2 =	vunpack.c.l.s4.s8 v52;
	v54 =	vpop (erf)  }
0x7f: {  	v0 =	vnsel vm0, $0x3F800000, v54  }
0x80: {  	s29 =	simm.s32 $0xB00;
	v3 =	vunpack.c.0.s8.s32 v3;
	v2 =	vunpack.c.0.s8.s32 v2;
	[tilespmem:$0xB00] =	vst v0  }
0x81: {  	v1 =	vld.idx.msk [tilespmem:v1+s29+$0x0], $0xffff  }
0x82: {  	v2 =	vcombine.low v3, v2;
	_ =	sdelay $0x1  }
0x83: {  	v2 =	vand.u32 $0xF, v2  }
0x84: {  	v55 =	vimm.s32 $0xDCFE98BA;
	v56 =	vimm.s32 $0x54761032  }
0x85: {  	v57 =	vunpack.c.l.s4.s8 v55;
	v58 =	vunpack.c.l.s4.s8 v56;
	v0 =	vmul.f32 v0, v1;
	_ =	sdelay $0x1  }
0x86: {  	v3 =	vunpack.c.0.s8.s32 v58;
	v1 =	vunpack.c.0.s8.s32 v57;
	[tilespmem:$0xB00] =	vst v0  }
0x87: {  	v2 =	vld.idx.msk [tilespmem:v2+s29+$0x0], $0xffff  }
0x88: {  	v1 =	vcombine.low v3, v1;
	_ =	sdelay $0x1  }
0x89: {  	v1 =	vand.u32 $0xF, v1  }
0x8a: {  	v59 =	vimm.s32 $0xEFCDAB89;
	v60 =	vimm.s32 $0x67452301  }
0x8b: {  	v61 =	vunpack.c.l.s4.s8 v59;
	v62 =	vunpack.c.l.s4.s8 v60;
	v0 =	vmul.f32 v0, v2;
	_ =	sdelay $0x1  }
0x8c: {  	v3 =	vunpack.c.0.s8.s32 v62;
	v2 =	vunpack.c.0.s8.s32 v61;
	[tilespmem:$0xB00] =	vst v0  }
0x8d: {  	v1 =	vld.idx.msk [tilespmem:v1+s29+$0x0], $0xffff  }
0x8e: {  	v2 =	vcombine.low v3, v2;
	_ =	sdelay $0x1  }
0x8f: {  	v2 =	vand.u32 $0xF, v2;
	_ =	sdelay $0x1  }
0x90: {  	v0 =	vmul.f32 v0, v1;
	_ =	sdelay $0x1  }
0x91: {  	[tilespmem:$0xB00] =	vst v0  }
0x92: {  	v63 =	vld.idx.msk [tilespmem:v2+s29+$0x0], $0xffff;
	_ =	sdelay $0x4  }
0x93: {  	v0 =	vmul.f32 v0, v63;
	_ =	sdelay $0x1  }
0x94: {  	s30 =	simm.s32 $0x0;
	s31 =	simm.s32 $0x4;
	[tilespmem:$0xB00] =	vst v0  }
0x95: {  	[hbm4b:s1+s30] =	stream.linear.scatter [tilespmem:s29], [sflag:$0x4], $0x1, $0x38;
	[tilespmem:$0xB80] =	vst v63  }
0x96: {  	_ =	swait.ge [sflag:s31], $0x1  }
0x97: {  	[sflag:s31] =	ssyncset.done $0x0  }
0x98: {  	[sflag:s31] =	ssyncadd.s32 $0xFFFFFFFF  }
.LBB2_4:
0x99: {  	_ =	sfence.sel $0x180000  }
0x9a: {  	[bflag:$0x0] =	sbarrier.arrive $0xFFFF  }
0x9b: {  	_ =	strace $0x90000047  }
0x9c: {  	s0 =	sadd.s32 @!p0 $0x100000, s0;
	[bflag:$0x2] =	sbarrier.arrive $0xFFFF  }
0x9d: {  	[sflag:s0] =	ssyncadd.tile.s32 @!p0 $0x1;
	_ =	shalt  }
.Lfunc_end2:
_tile_overlayer_lowered:
.L_overlay_start_2:
0x9e: {  	(tag) =	ssettag $0x2  }
0x9f: {  	s0 =	rddreg [dreg:$0x0];
	s2 =	stileid.u32  }
0xa0: {  	s1 =	rddreg [dreg:$0x1];
	p0 =	sne.s32 s2, $0x0  }
0xa1: {  	s3 =	rddreg [dreg:$0x2];
	[bflag:$0x3] =	sbarrier.arrive $0xFFFF;
	s2 =	simm.s32 @!p0 $0x1C04  }
0xa2: {  	[timem:s3], [sflag:s2] =	dma.local @!p0 [hbm:s0], s1  }
0xa3: {  	s0 =	simm.s32 @!p0 $0x4  }
0xa4: {  	_ =	swait.ge @!p0 [sflag:s0], s1  }
0xa5: {  	s1 =	ssub.s32 @!p0 $0x0, s1;
	[sflag:s0] =	ssyncset.done @!p0 $0x0  }
0xa6: {  	[sflag:s0] =	ssyncadd.s32 @!p0 s1  }
0xa7: {  	[bflag:$0x3] =	sbarrier.arrive $0xFFFF  }
0xa8: {  	_ =	shalt  }

</sc_bundles>
